<compile_context>
chip_gen: v7x
topology: tpu7x:2x2x1
jax: 0.10.2.dev20260603
libtpu: 0.0.44.dev20260713+nightly
codegen_flags: <defaults>
</compile_context>

<pallas_src>
import functools

import jax
import jax.numpy as jnp
from jax import lax
from jax.experimental import pallas as pl
from jax.experimental.pallas import tpu as pltpu
from jax.experimental.pallas import tpu_sc as plsc

VOCAB = 100000
EMBED_DIM = 128
CHUNK = 128


def _make_kernel(n_tokens: int):
    info = plsc.get_sparse_core_info()
    nw = info.num_cores * info.num_subcores
    assert n_tokens % (nw * CHUNK) == 0
    chunks_per_w = n_tokens // (nw * CHUNK)

    mesh = plsc.VectorSubcoreMesh(core_axis_name="c", subcore_axis_name="s")

    nbuf = 7
    assert chunks_per_w > nbuf

    @functools.partial(
        pl.kernel,
        mesh=mesh,
        out_type=jax.ShapeDtypeStruct((n_tokens, EMBED_DIM), jnp.float32),
        scratch_types=[
            pltpu.VMEM((chunks_per_w, CHUNK), jnp.int32),
            pltpu.VMEM((nbuf, CHUNK, EMBED_DIM), jnp.float32),
            pltpu.SemaphoreType.DMA((nbuf,)),
            pltpu.SemaphoreType.DMA((nbuf,)),
        ],
    )
    def emb_kernel(idx_hbm, table_hbm, out_hbm, idx_v, rows_v, gsem, wsem):
        nc = info.num_cores
        wid = lax.axis_index("s") * nc + lax.axis_index("c")
        base = wid * (chunks_per_w * CHUNK)
        pltpu.sync_copy(idx_hbm.at[wid], idx_v)

        def gather_start(j, b):
            pltpu.async_copy(table_hbm.at[idx_v.at[j]], rows_v.at[b], gsem.at[b])

        def gather_wait(b):
            pltpu.make_async_copy(
                table_hbm.at[idx_v.at[0]], rows_v.at[b], gsem.at[b]
            ).wait()

        for b in range(nbuf):
            gather_start(b, b)

        def write_wait(b):
            pltpu.make_async_copy(
                rows_v.at[b], out_hbm.at[pl.ds(base, CHUNK)], wsem.at[b]
            ).wait()

        def step(j, carry):
            b = lax.rem(j, nbuf)
            gather_wait(b)
            pltpu.async_copy(
                rows_v.at[b], out_hbm.at[pl.ds(base + j * CHUNK, CHUNK)], wsem.at[b]
            )

            @pl.when(j + nbuf < chunks_per_w)
            def _():
                write_wait(b)
                gather_start(j + nbuf, b)

            return carry

        lax.fori_loop(0, chunks_per_w, step, 0)
        for b in range(nbuf):
            write_wait(b)

    return emb_kernel, nw, chunks_per_w


def kernel(token_ids, table):
    b, t = token_ids.shape
    n_tokens = b * t
    emb_kernel, nw, chunks_per_w = _make_kernel(n_tokens)
    idx = token_ids.astype(jnp.int32).reshape(nw, chunks_per_w, CHUNK)
    out = emb_kernel(idx, table)
    return out.reshape(b, t, EMBED_DIM)

# --- scband reference (transcript-rebuilt; emitter-appended) ---
"""Pipeline reference for scband-token-embedding-84052509982779 (READ-ONLY COPY).

The authoritative reference and input builder live on the scoring server;
editing this copy changes nothing except your own understanding.
"""

import jax, jax.numpy as jnp
import numpy as np

VOCAB = 100000
EMBED_DIM = 128
B = 1024
T = 200

def setup_inputs(seed: int = 0) -> dict:
    key = jax.random.key(seed)
    k_idx, k_tab = jax.random.split(key)
    token_ids = jax.random.randint(k_idx, (B, T), 0, VOCAB, dtype=jnp.int64 if jax.config.jax_enable_x64 else jnp.int32)
    table = jax.random.normal(k_tab, (VOCAB, EMBED_DIM), dtype=jnp.float32)
    return {"token_ids": token_ids, "table": table}

def reference(token_ids, table):
    # Embedding lookup: each token id indexes a row of the learned table.
    # (B, T) int ids -> (B, T, C) float embeddings
    embeddings = jnp.take(table, token_ids, axis=0)
    return embeddings

if __name__ == "__main__":
    import jax
    _d = setup_inputs()
    print(jax.jit(kernel)(*tuple(_d.values())))

</pallas_src>

<mosaic_0001>
#map = affine_map<(d0, d1) -> (0, 0, 0)>
#map1 = affine_map<(d0, d1) -> (0, 0)>
module attributes {stable_mosaic.version = 14 : i64} {
  func.func @emb_kernel(%arg0: i32, %arg1: i32, %arg2: memref<32x50x128xi32, #tpu.memory_space<hbm>>, %arg3: memref<100000x128xf32, #tpu.memory_space<hbm>>, %arg4: memref<204800x128xf32, #tpu.memory_space<hbm>>, %arg5: memref<50x128xi32, #tpu.memory_space<vmem>>, %arg6: memref<7x128x128xf32, #tpu.memory_space<vmem>>, %arg7: memref<7x!tpu.dma_semaphore, #tpu.memory_space<semaphore_mem>>, %arg8: memref<7x!tpu.dma_semaphore, #tpu.memory_space<semaphore_mem>>) attributes {dimension_semantics = [#tpu.dimension_semantics<core_parallel>, #tpu.dimension_semantics<subcore_parallel>], iteration_bounds = array<i64: 2, 16>, scalar_prefetch = 0 : i64, scratch_operands = 4 : i64, tpu.core_type = #tpu.core_type<sc_vector_subcore>, window_params = [{transform_indices = #map}, {transform_indices = #map1}, {transform_indices = #map1}]} {
    %mul3A = arith.constant 2 : i32
    %mul3A_0 = arith.muli %arg1, %mul3A : i32
    %add3A = arith.addi %mul3A_0, %arg0 : i32
    %mul3A_1 = arith.constant 6400 : i32
    %mul3A_2 = arith.muli %add3A, %mul3A_1 : i32
    "tpu.region"() ({
      %run_scoped3A = tpu.sem_alloc : memref<!tpu.dma_semaphore, #tpu.memory_space<semaphore_mem>>
      %dma_start3A_223 = arith.constant 0 : i32
      %dma_start3A_224 = arith.constant 0 : i32
      %dma_start3A_225 = tpu.memref_slice %arg2[%add3A, %dma_start3A_223, %dma_start3A_224] : memref<32x50x128xi32, #tpu.memory_space<hbm>> -> memref<1x50x128xi32, #tpu.memory_space<hbm>>
      %dma_start3A_226 = tpu.memref_squeeze %dma_start3A_225 : memref<1x50x128xi32, #tpu.memory_space<hbm>> -> memref<50x128xi32, #tpu.memory_space<hbm>>
      %dma_start3A_227 = arith.constant 0 : i32
      %dma_start3A_228 = arith.constant 0 : i32
      %dma_start3A_229 = tpu.memref_slice %arg2[%add3A, %dma_start3A_227, %dma_start3A_228] : memref<32x50x128xi32, #tpu.memory_space<hbm>> -> memref<1x50x128xi32, #tpu.memory_space<hbm>>
      %dma_start3A_230 = tpu.memref_squeeze %dma_start3A_229 : memref<1x50x128xi32, #tpu.memory_space<hbm>> -> memref<50x128xi32, #tpu.memory_space<hbm>>
      tpu.enqueue_dma source(%dma_start3A_230 : memref<50x128xi32, #tpu.memory_space<hbm>>) target(%arg5 : memref<50x128xi32, #tpu.memory_space<vmem>>) target_semaphore(%run_scoped3A : memref<!tpu.dma_semaphore, #tpu.memory_space<semaphore_mem>>)
      %dma_wait3A_231 = arith.constant 0 : i32
      %dma_wait3A_232 = arith.constant 0 : i32
      %dma_wait3A_233 = tpu.memref_slice %arg2[%add3A, %dma_wait3A_231, %dma_wait3A_232] : memref<32x50x128xi32, #tpu.memory_space<hbm>> -> memref<1x50x128xi32, #tpu.memory_space<hbm>>
      %dma_wait3A_234 = tpu.memref_squeeze %dma_wait3A_233 : memref<1x50x128xi32, #tpu.memory_space<hbm>> -> memref<50x128xi32, #tpu.memory_space<hbm>>
      %dma_wait3A_235 = arith.constant 0 : i32
      %dma_wait3A_236 = arith.constant 0 : i32
      %dma_wait3A_237 = tpu.memref_slice %arg2[%add3A, %dma_wait3A_235, %dma_wait3A_236] : memref<32x50x128xi32, #tpu.memory_space<hbm>> -> memref<1x50x128xi32, #tpu.memory_space<hbm>>
      %dma_wait3A_238 = tpu.memref_squeeze %dma_wait3A_237 : memref<1x50x128xi32, #tpu.memory_space<hbm>> -> memref<50x128xi32, #tpu.memory_space<hbm>>
      tpu.wait_dma2 semaphore(%run_scoped3A : memref<!tpu.dma_semaphore, #tpu.memory_space<semaphore_mem>>) src(%dma_wait3A_238 : memref<50x128xi32, #tpu.memory_space<hbm>>) dst(%arg5 : memref<50x128xi32, #tpu.memory_space<vmem>>)
      tpu.yield
    }) : () -> ()
    %dma_start3A = arith.constant 0 : i32
    %dma_start3A_3 = arith.constant 0 : i32
    %dma_start3A_4 = arith.constant 0 : i32
    %dma_start3A_5 = arith.constant 0 : i32
    %dma_start3A_6 = arith.constant 0 : i32
    %dma_start3A_7 = tpu.memref_slice %arg6[%dma_start3A_3, %dma_start3A_5, %dma_start3A_6] : memref<7x128x128xf32, #tpu.memory_space<vmem>> -> memref<1x128x128xf32, #tpu.memory_space<vmem>>
    %dma_start3A_8 = tpu.memref_squeeze %dma_start3A_7 : memref<1x128x128xf32, #tpu.memory_space<vmem>> -> memref<128x128xf32, #tpu.memory_space<vmem>>
    %dma_start3A_9 = arith.constant 0 : i32
    %dma_start3A_10 = tpu.memref_slice %arg5[%dma_start3A, %dma_start3A_9] : memref<50x128xi32, #tpu.memory_space<vmem>> -> memref<1x128xi32, #tpu.memory_space<vmem>>
    %dma_start3A_11 = tpu.memref_squeeze %dma_start3A_10 : memref<1x128xi32, #tpu.memory_space<vmem>> -> memref<128xi32, #tpu.memory_space<vmem>>
    %dma_start3A_12 = arith.constant 0 : i32
    %dma_start3A_13 = arith.constant 0 : i32
    %dma_start3A_14 = tpu.memref_slice %arg3[%dma_start3A_12, %dma_start3A_13] : memref<100000x128xf32, #tpu.memory_space<hbm>> -> memref<100000x128xf32, #tpu.memory_space<hbm>>
    %dma_start3A_15 = tpu.memref_slice %arg7[%dma_start3A_4] : memref<7x!tpu.dma_semaphore, #tpu.memory_space<semaphore_mem>> -> memref<1x!tpu.dma_semaphore, #tpu.memory_space<semaphore_mem>>
    %dma_start3A_16 = tpu.memref_squeeze %dma_start3A_15 : memref<1x!tpu.dma_semaphore, #tpu.memory_space<semaphore_mem>> -> memref<!tpu.dma_semaphore, #tpu.memory_space<semaphore_mem>>
    tpu.enqueue_indirect_dma source(%dma_start3A_14 : memref<100000x128xf32, #tpu.memory_space<hbm>>) target(%dma_start3A_8 : memref<128x128xf32, #tpu.memory_space<vmem>>) offsets(%dma_start3A_11 : memref<128xi32, #tpu.memory_space<vmem>>) semaphore(%dma_start3A_16 : memref<!tpu.dma_semaphore, #tpu.memory_space<semaphore_mem>>)
    %dma_start3A_17 = arith.constant 1 : i32
    %dma_start3A_18 = arith.constant 1 : i32
    %dma_start3A_19 = arith.constant 1 : i32
    %dma_start3A_20 = arith.constant 0 : i32
    %dma_start3A_21 = arith.constant 0 : i32
    %dma_start3A_22 = tpu.memref_slice %arg6[%dma_start3A_18, %dma_start3A_20, %dma_start3A_21] : memref<7x128x128xf32, #tpu.memory_space<vmem>> -> memref<1x128x128xf32, #tpu.memory_space<vmem>>
    %dma_start3A_23 = tpu.memref_squeeze %dma_start3A_22 : memref<1x128x128xf32, #tpu.memory_space<vmem>> -> memref<128x128xf32, #tpu.memory_space<vmem>>
    %dma_start3A_24 = arith.constant 0 : i32
    %dma_start3A_25 = tpu.memref_slice %arg5[%dma_start3A_17, %dma_start3A_24] : memref<50x128xi32, #tpu.memory_space<vmem>> -> memref<1x128xi32, #tpu.memory_space<vmem>>
    %dma_start3A_26 = tpu.memref_squeeze %dma_start3A_25 : memref<1x128xi32, #tpu.memory_space<vmem>> -> memref<128xi32, #tpu.memory_space<vmem>>
    %dma_start3A_27 = arith.constant 0 : i32
    %dma_start3A_28 = arith.constant 0 : i32
    %dma_start3A_29 = tpu.memref_slice %arg3[%dma_start3A_27, %dma_start3A_28] : memref<100000x128xf32, #tpu.memory_space<hbm>> -> memref<100000x128xf32, #tpu.memory_space<hbm>>
    %dma_start3A_30 = tpu.memref_slice %arg7[%dma_start3A_19] : memref<7x!tpu.dma_semaphore, #tpu.memory_space<semaphore_mem>> -> memref<1x!tpu.dma_semaphore, #tpu.memory_space<semaphore_mem>>
    %dma_start3A_31 = tpu.memref_squeeze %dma_start3A_30 : memref<1x!tpu.dma_semaphore, #tpu.memory_space<semaphore_mem>> -> memref<!tpu.dma_semaphore, #tpu.memory_space<semaphore_mem>>
    tpu.enqueue_indirect_dma source(%dma_start3A_29 : memref<100000x128xf32, #tpu.memory_space<hbm>>) target(%dma_start3A_23 : memref<128x128xf32, #tpu.memory_space<vmem>>) offsets(%dma_start3A_26 : memref<128xi32, #tpu.memory_space<vmem>>) semaphore(%dma_start3A_31 : memref<!tpu.dma_semaphore, #tpu.memory_space<semaphore_mem>>)
    %dma_start3A_32 = arith.constant 2 : i32
    %dma_start3A_33 = arith.constant 2 : i32
    %dma_start3A_34 = arith.constant 2 : i32
    %dma_start3A_35 = arith.constant 0 : i32
    %dma_start3A_36 = arith.constant 0 : i32
    %dma_start3A_37 = tpu.memref_slice %arg6[%dma_start3A_33, %dma_start3A_35, %dma_start3A_36] : memref<7x128x128xf32, #tpu.memory_space<vmem>> -> memref<1x128x128xf32, #tpu.memory_space<vmem>>
    %dma_start3A_38 = tpu.memref_squeeze %dma_start3A_37 : memref<1x128x128xf32, #tpu.memory_space<vmem>> -> memref<128x128xf32, #tpu.memory_space<vmem>>
    %dma_start3A_39 = arith.constant 0 : i32
    %dma_start3A_40 = tpu.memref_slice %arg5[%dma_start3A_32, %dma_start3A_39] : memref<50x128xi32, #tpu.memory_space<vmem>> -> memref<1x128xi32, #tpu.memory_space<vmem>>
    %dma_start3A_41 = tpu.memref_squeeze %dma_start3A_40 : memref<1x128xi32, #tpu.memory_space<vmem>> -> memref<128xi32, #tpu.memory_space<vmem>>
    %dma_start3A_42 = arith.constant 0 : i32
    %dma_start3A_43 = arith.constant 0 : i32
    %dma_start3A_44 = tpu.memref_slice %arg3[%dma_start3A_42, %dma_start3A_43] : memref<100000x128xf32, #tpu.memory_space<hbm>> -> memref<100000x128xf32, #tpu.memory_space<hbm>>
    %dma_start3A_45 = tpu.memref_slice %arg7[%dma_start3A_34] : memref<7x!tpu.dma_semaphore, #tpu.memory_space<semaphore_mem>> -> memref<1x!tpu.dma_semaphore, #tpu.memory_space<semaphore_mem>>
    %dma_start3A_46 = tpu.memref_squeeze %dma_start3A_45 : memref<1x!tpu.dma_semaphore, #tpu.memory_space<semaphore_mem>> -> memref<!tpu.dma_semaphore, #tpu.memory_space<semaphore_mem>>
    tpu.enqueue_indirect_dma source(%dma_start3A_44 : memref<100000x128xf32, #tpu.memory_space<hbm>>) target(%dma_start3A_38 : memref<128x128xf32, #tpu.memory_space<vmem>>) offsets(%dma_start3A_41 : memref<128xi32, #tpu.memory_space<vmem>>) semaphore(%dma_start3A_46 : memref<!tpu.dma_semaphore, #tpu.memory_space<semaphore_mem>>)
    %dma_start3A_47 = arith.constant 3 : i32
    %dma_start3A_48 = arith.constant 3 : i32
    %dma_start3A_49 = arith.constant 3 : i32
    %dma_start3A_50 = arith.constant 0 : i32
    %dma_start3A_51 = arith.constant 0 : i32
    %dma_start3A_52 = tpu.memref_slice %arg6[%dma_start3A_48, %dma_start3A_50, %dma_start3A_51] : memref<7x128x128xf32, #tpu.memory_space<vmem>> -> memref<1x128x128xf32, #tpu.memory_space<vmem>>
    %dma_start3A_53 = tpu.memref_squeeze %dma_start3A_52 : memref<1x128x128xf32, #tpu.memory_space<vmem>> -> memref<128x128xf32, #tpu.memory_space<vmem>>
    %dma_start3A_54 = arith.constant 0 : i32
    %dma_start3A_55 = tpu.memref_slice %arg5[%dma_start3A_47, %dma_start3A_54] : memref<50x128xi32, #tpu.memory_space<vmem>> -> memref<1x128xi32, #tpu.memory_space<vmem>>
    %dma_start3A_56 = tpu.memref_squeeze %dma_start3A_55 : memref<1x128xi32, #tpu.memory_space<vmem>> -> memref<128xi32, #tpu.memory_space<vmem>>
    %dma_start3A_57 = arith.constant 0 : i32
    %dma_start3A_58 = arith.constant 0 : i32
    %dma_start3A_59 = tpu.memref_slice %arg3[%dma_start3A_57, %dma_start3A_58] : memref<100000x128xf32, #tpu.memory_space<hbm>> -> memref<100000x128xf32, #tpu.memory_space<hbm>>
    %dma_start3A_60 = tpu.memref_slice %arg7[%dma_start3A_49] : memref<7x!tpu.dma_semaphore, #tpu.memory_space<semaphore_mem>> -> memref<1x!tpu.dma_semaphore, #tpu.memory_space<semaphore_mem>>
    %dma_start3A_61 = tpu.memref_squeeze %dma_start3A_60 : memref<1x!tpu.dma_semaphore, #tpu.memory_space<semaphore_mem>> -> memref<!tpu.dma_semaphore, #tpu.memory_space<semaphore_mem>>
    tpu.enqueue_indirect_dma source(%dma_start3A_59 : memref<100000x128xf32, #tpu.memory_space<hbm>>) target(%dma_start3A_53 : memref<128x128xf32, #tpu.memory_space<vmem>>) offsets(%dma_start3A_56 : memref<128xi32, #tpu.memory_space<vmem>>) semaphore(%dma_start3A_61 : memref<!tpu.dma_semaphore, #tpu.memory_space<semaphore_mem>>)
    %dma_start3A_62 = arith.constant 4 : i32
    %dma_start3A_63 = arith.constant 4 : i32
    %dma_start3A_64 = arith.constant 4 : i32
    %dma_start3A_65 = arith.constant 0 : i32
    %dma_start3A_66 = arith.constant 0 : i32
    %dma_start3A_67 = tpu.memref_slice %arg6[%dma_start3A_63, %dma_start3A_65, %dma_start3A_66] : memref<7x128x128xf32, #tpu.memory_space<vmem>> -> memref<1x128x128xf32, #tpu.memory_space<vmem>>
    %dma_start3A_68 = tpu.memref_squeeze %dma_start3A_67 : memref<1x128x128xf32, #tpu.memory_space<vmem>> -> memref<128x128xf32, #tpu.memory_space<vmem>>
    %dma_start3A_69 = arith.constant 0 : i32
    %dma_start3A_70 = tpu.memref_slice %arg5[%dma_start3A_62, %dma_start3A_69] : memref<50x128xi32, #tpu.memory_space<vmem>> -> memref<1x128xi32, #tpu.memory_space<vmem>>
    %dma_start3A_71 = tpu.memref_squeeze %dma_start3A_70 : memref<1x128xi32, #tpu.memory_space<vmem>> -> memref<128xi32, #tpu.memory_space<vmem>>
    %dma_start3A_72 = arith.constant 0 : i32
    %dma_start3A_73 = arith.constant 0 : i32
    %dma_start3A_74 = tpu.memref_slice %arg3[%dma_start3A_72, %dma_start3A_73] : memref<100000x128xf32, #tpu.memory_space<hbm>> -> memref<100000x128xf32, #tpu.memory_space<hbm>>
    %dma_start3A_75 = tpu.memref_slice %arg7[%dma_start3A_64] : memref<7x!tpu.dma_semaphore, #tpu.memory_space<semaphore_mem>> -> memref<1x!tpu.dma_semaphore, #tpu.memory_space<semaphore_mem>>
    %dma_start3A_76 = tpu.memref_squeeze %dma_start3A_75 : memref<1x!tpu.dma_semaphore, #tpu.memory_space<semaphore_mem>> -> memref<!tpu.dma_semaphore, #tpu.memory_space<semaphore_mem>>
    tpu.enqueue_indirect_dma source(%dma_start3A_74 : memref<100000x128xf32, #tpu.memory_space<hbm>>) target(%dma_start3A_68 : memref<128x128xf32, #tpu.memory_space<vmem>>) offsets(%dma_start3A_71 : memref<128xi32, #tpu.memory_space<vmem>>) semaphore(%dma_start3A_76 : memref<!tpu.dma_semaphore, #tpu.memory_space<semaphore_mem>>)
    %dma_start3A_77 = arith.constant 5 : i32
    %dma_start3A_78 = arith.constant 5 : i32
    %dma_start3A_79 = arith.constant 5 : i32
    %dma_start3A_80 = arith.constant 0 : i32
    %dma_start3A_81 = arith.constant 0 : i32
    %dma_start3A_82 = tpu.memref_slice %arg6[%dma_start3A_78, %dma_start3A_80, %dma_start3A_81] : memref<7x128x128xf32, #tpu.memory_space<vmem>> -> memref<1x128x128xf32, #tpu.memory_space<vmem>>
    %dma_start3A_83 = tpu.memref_squeeze %dma_start3A_82 : memref<1x128x128xf32, #tpu.memory_space<vmem>> -> memref<128x128xf32, #tpu.memory_space<vmem>>
    %dma_start3A_84 = arith.constant 0 : i32
    %dma_start3A_85 = tpu.memref_slice %arg5[%dma_start3A_77, %dma_start3A_84] : memref<50x128xi32, #tpu.memory_space<vmem>> -> memref<1x128xi32, #tpu.memory_space<vmem>>
    %dma_start3A_86 = tpu.memref_squeeze %dma_start3A_85 : memref<1x128xi32, #tpu.memory_space<vmem>> -> memref<128xi32, #tpu.memory_space<vmem>>
    %dma_start3A_87 = arith.constant 0 : i32
    %dma_start3A_88 = arith.constant 0 : i32
    %dma_start3A_89 = tpu.memref_slice %arg3[%dma_start3A_87, %dma_start3A_88] : memref<100000x128xf32, #tpu.memory_space<hbm>> -> memref<100000x128xf32, #tpu.memory_space<hbm>>
    %dma_start3A_90 = tpu.memref_slice %arg7[%dma_start3A_79] : memref<7x!tpu.dma_semaphore, #tpu.memory_space<semaphore_mem>> -> memref<1x!tpu.dma_semaphore, #tpu.memory_space<semaphore_mem>>
    %dma_start3A_91 = tpu.memref_squeeze %dma_start3A_90 : memref<1x!tpu.dma_semaphore, #tpu.memory_space<semaphore_mem>> -> memref<!tpu.dma_semaphore, #tpu.memory_space<semaphore_mem>>
    tpu.enqueue_indirect_dma source(%dma_start3A_89 : memref<100000x128xf32, #tpu.memory_space<hbm>>) target(%dma_start3A_83 : memref<128x128xf32, #tpu.memory_space<vmem>>) offsets(%dma_start3A_86 : memref<128xi32, #tpu.memory_space<vmem>>) semaphore(%dma_start3A_91 : memref<!tpu.dma_semaphore, #tpu.memory_space<semaphore_mem>>)
    %dma_start3A_92 = arith.constant 6 : i32
    %dma_start3A_93 = arith.constant 6 : i32
    %dma_start3A_94 = arith.constant 6 : i32
    %dma_start3A_95 = arith.constant 0 : i32
    %dma_start3A_96 = arith.constant 0 : i32
    %dma_start3A_97 = tpu.memref_slice %arg6[%dma_start3A_93, %dma_start3A_95, %dma_start3A_96] : memref<7x128x128xf32, #tpu.memory_space<vmem>> -> memref<1x128x128xf32, #tpu.memory_space<vmem>>
    %dma_start3A_98 = tpu.memref_squeeze %dma_start3A_97 : memref<1x128x128xf32, #tpu.memory_space<vmem>> -> memref<128x128xf32, #tpu.memory_space<vmem>>
    %dma_start3A_99 = arith.constant 0 : i32
    %dma_start3A_100 = tpu.memref_slice %arg5[%dma_start3A_92, %dma_start3A_99] : memref<50x128xi32, #tpu.memory_space<vmem>> -> memref<1x128xi32, #tpu.memory_space<vmem>>
    %dma_start3A_101 = tpu.memref_squeeze %dma_start3A_100 : memref<1x128xi32, #tpu.memory_space<vmem>> -> memref<128xi32, #tpu.memory_space<vmem>>
    %dma_start3A_102 = arith.constant 0 : i32
    %dma_start3A_103 = arith.constant 0 : i32
    %dma_start3A_104 = tpu.memref_slice %arg3[%dma_start3A_102, %dma_start3A_103] : memref<100000x128xf32, #tpu.memory_space<hbm>> -> memref<100000x128xf32, #tpu.memory_space<hbm>>
    %dma_start3A_105 = tpu.memref_slice %arg7[%dma_start3A_94] : memref<7x!tpu.dma_semaphore, #tpu.memory_space<semaphore_mem>> -> memref<1x!tpu.dma_semaphore, #tpu.memory_space<semaphore_mem>>
    %dma_start3A_106 = tpu.memref_squeeze %dma_start3A_105 : memref<1x!tpu.dma_semaphore, #tpu.memory_space<semaphore_mem>> -> memref<!tpu.dma_semaphore, #tpu.memory_space<semaphore_mem>>
    tpu.enqueue_indirect_dma source(%dma_start3A_104 : memref<100000x128xf32, #tpu.memory_space<hbm>>) target(%dma_start3A_98 : memref<128x128xf32, #tpu.memory_space<vmem>>) offsets(%dma_start3A_101 : memref<128xi32, #tpu.memory_space<vmem>>) semaphore(%dma_start3A_106 : memref<!tpu.dma_semaphore, #tpu.memory_space<semaphore_mem>>)
    %scan3A = arith.constant 0 : i32
    %scan3A_107 = arith.constant 0 : i32
    %scan3A_108 = arith.constant 50 : i32
    %scan3A_109 = arith.addi %scan3A_107, %scan3A_108 : i32
    %scan3A_110 = arith.constant 1 : i32
    scf.for %scan3A_223 = %scan3A_107 to %scan3A_109 step %scan3A_110  : i32 {
      %rem3A = arith.constant 7 : i32
      %rem3A_224 = arith.remsi %scan3A_223, %rem3A : i32
      %dma_wait3A_225 = arith.constant 0 : i32
      %dma_wait3A_226 = arith.constant 0 : i32
      %dma_wait3A_227 = arith.constant 0 : i32
      %dma_wait3A_228 = tpu.memref_slice %arg6[%rem3A_224, %dma_wait3A_226, %dma_wait3A_227] : memref<7x128x128xf32, #tpu.memory_space<vmem>> -> memref<1x128x128xf32, #tpu.memory_space<vmem>>
      %dma_wait3A_229 = tpu.memref_squeeze %dma_wait3A_228 : memref<1x128x128xf32, #tpu.memory_space<vmem>> -> memref<128x128xf32, #tpu.memory_space<vmem>>
      %dma_wait3A_230 = arith.constant 0 : i32
      %dma_wait3A_231 = tpu.memref_slice %arg5[%dma_wait3A_225, %dma_wait3A_230] : memref<50x128xi32, #tpu.memory_space<vmem>> -> memref<1x128xi32, #tpu.memory_space<vmem>>
      %dma_wait3A_232 = tpu.memref_squeeze %dma_wait3A_231 : memref<1x128xi32, #tpu.memory_space<vmem>> -> memref<128xi32, #tpu.memory_space<vmem>>
      %dma_wait3A_233 = arith.constant 0 : i32
      %dma_wait3A_234 = arith.constant 0 : i32
      %dma_wait3A_235 = tpu.memref_slice %arg3[%dma_wait3A_233, %dma_wait3A_234] : memref<100000x128xf32, #tpu.memory_space<hbm>> -> memref<100000x128xf32, #tpu.memory_space<hbm>>
      %dma_wait3A_236 = tpu.memref_slice %arg7[%rem3A_224] : memref<7x!tpu.dma_semaphore, #tpu.memory_space<semaphore_mem>> -> memref<1x!tpu.dma_semaphore, #tpu.memory_space<semaphore_mem>>
      %dma_wait3A_237 = tpu.memref_squeeze %dma_wait3A_236 : memref<1x!tpu.dma_semaphore, #tpu.memory_space<semaphore_mem>> -> memref<!tpu.dma_semaphore, #tpu.memory_space<semaphore_mem>>
      tpu.wait_indirect_dma semaphore(%dma_wait3A_237 : memref<!tpu.dma_semaphore, #tpu.memory_space<semaphore_mem>>) src(%dma_wait3A_235 : memref<100000x128xf32, #tpu.memory_space<hbm>>) dst(%dma_wait3A_229 : memref<128x128xf32, #tpu.memory_space<vmem>>)
      %mul3A_238 = arith.constant 128 : i32
      %mul3A_239 = arith.muli %scan3A_223, %mul3A_238 : i32
      %add3A_240 = arith.addi %mul3A_2, %mul3A_239 : i32
      %dma_start3A_241 = arith.constant 0 : i32
      %dma_start3A_242 = arith.constant 0 : i32
      %dma_start3A_243 = tpu.memref_slice %arg6[%rem3A_224, %dma_start3A_241, %dma_start3A_242] : memref<7x128x128xf32, #tpu.memory_space<vmem>> -> memref<1x128x128xf32, #tpu.memory_space<vmem>>
      %dma_start3A_244 = tpu.memref_squeeze %dma_start3A_243 : memref<1x128x128xf32, #tpu.memory_space<vmem>> -> memref<128x128xf32, #tpu.memory_space<vmem>>
      %dma_start3A_245 = arith.constant 0 : i32
      %dma_start3A_246 = tpu.memref_slice %arg4[%add3A_240, %dma_start3A_245] : memref<204800x128xf32, #tpu.memory_space<hbm>> -> memref<128x128xf32, #tpu.memory_space<hbm>>
      %dma_start3A_247 = tpu.memref_slice %arg8[%rem3A_224] : memref<7x!tpu.dma_semaphore, #tpu.memory_space<semaphore_mem>> -> memref<1x!tpu.dma_semaphore, #tpu.memory_space<semaphore_mem>>
      %dma_start3A_248 = tpu.memref_squeeze %dma_start3A_247 : memref<1x!tpu.dma_semaphore, #tpu.memory_space<semaphore_mem>> -> memref<!tpu.dma_semaphore, #tpu.memory_space<semaphore_mem>>
      %dma_start3A_249 = arith.constant 0 : i32
      %dma_start3A_250 = tpu.memref_slice %arg4[%add3A_240, %dma_start3A_249] : memref<204800x128xf32, #tpu.memory_space<hbm>> -> memref<128x128xf32, #tpu.memory_space<hbm>>
      %dma_start3A_251 = arith.constant 0 : i32
      %dma_start3A_252 = arith.constant 0 : i32
      %dma_start3A_253 = tpu.memref_slice %arg6[%rem3A_224, %dma_start3A_251, %dma_start3A_252] : memref<7x128x128xf32, #tpu.memory_space<vmem>> -> memref<1x128x128xf32, #tpu.memory_space<vmem>>
      %dma_start3A_254 = tpu.memref_squeeze %dma_start3A_253 : memref<1x128x128xf32, #tpu.memory_space<vmem>> -> memref<128x128xf32, #tpu.memory_space<vmem>>
      tpu.enqueue_dma source(%dma_start3A_254 : memref<128x128xf32, #tpu.memory_space<vmem>>) target(%dma_start3A_250 : memref<128x128xf32, #tpu.memory_space<hbm>>) target_semaphore(%dma_start3A_248 : memref<!tpu.dma_semaphore, #tpu.memory_space<semaphore_mem>>)
      %add3A_255 = arith.constant 7 : i32
      %add3A_256 = arith.addi %scan3A_223, %add3A_255 : i32
      %lt3A = arith.constant 50 : i32
      %lt3A_257 = arith.cmpi slt, %add3A_256, %lt3A : i32
      %convert_element_type3A = arith.extui %lt3A_257 : i1 to i32
      %cond3A = arith.constant 0 : i32
      %cond3A_258 = arith.cmpi ne, %convert_element_type3A, %cond3A : i32
      scf.if %cond3A_258 {
        %dma_wait3A_259 = arith.constant 0 : i32
        %dma_wait3A_260 = arith.constant 0 : i32
        %dma_wait3A_261 = tpu.memref_slice %arg6[%rem3A_224, %dma_wait3A_259, %dma_wait3A_260] : memref<7x128x128xf32, #tpu.memory_space<vmem>> -> memref<1x128x128xf32, #tpu.memory_space<vmem>>
        %dma_wait3A_262 = tpu.memref_squeeze %dma_wait3A_261 : memref<1x128x128xf32, #tpu.memory_space<vmem>> -> memref<128x128xf32, #tpu.memory_space<vmem>>
        %dma_wait3A_263 = arith.constant 0 : i32
        %dma_wait3A_264 = tpu.memref_slice %arg4[%mul3A_2, %dma_wait3A_263] : memref<204800x128xf32, #tpu.memory_space<hbm>> -> memref<128x128xf32, #tpu.memory_space<hbm>>
        %dma_wait3A_265 = tpu.memref_slice %arg8[%rem3A_224] : memref<7x!tpu.dma_semaphore, #tpu.memory_space<semaphore_mem>> -> memref<1x!tpu.dma_semaphore, #tpu.memory_space<semaphore_mem>>
        %dma_wait3A_266 = tpu.memref_squeeze %dma_wait3A_265 : memref<1x!tpu.dma_semaphore, #tpu.memory_space<semaphore_mem>> -> memref<!tpu.dma_semaphore, #tpu.memory_space<semaphore_mem>>
        %dma_wait3A_267 = arith.constant 0 : i32
        %dma_wait3A_268 = tpu.memref_slice %arg4[%mul3A_2, %dma_wait3A_267] : memref<204800x128xf32, #tpu.memory_space<hbm>> -> memref<128x128xf32, #tpu.memory_space<hbm>>
        %dma_wait3A_269 = arith.constant 0 : i32
        %dma_wait3A_270 = arith.constant 0 : i32
        %dma_wait3A_271 = tpu.memref_slice %arg6[%rem3A_224, %dma_wait3A_269, %dma_wait3A_270] : memref<7x128x128xf32, #tpu.memory_space<vmem>> -> memref<1x128x128xf32, #tpu.memory_space<vmem>>
        %dma_wait3A_272 = tpu.memref_squeeze %dma_wait3A_271 : memref<1x128x128xf32, #tpu.memory_space<vmem>> -> memref<128x128xf32, #tpu.memory_space<vmem>>
        tpu.wait_dma2 semaphore(%dma_wait3A_266 : memref<!tpu.dma_semaphore, #tpu.memory_space<semaphore_mem>>) src(%dma_wait3A_272 : memref<128x128xf32, #tpu.memory_space<vmem>>) dst(%dma_wait3A_268 : memref<128x128xf32, #tpu.memory_space<hbm>>)
        %add3A_273 = arith.constant 7 : i32
        %add3A_274 = arith.addi %scan3A_223, %add3A_273 : i32
        %dma_start3A_275 = arith.constant 0 : i32
        %dma_start3A_276 = arith.constant 0 : i32
        %dma_start3A_277 = tpu.memref_slice %arg6[%rem3A_224, %dma_start3A_275, %dma_start3A_276] : memref<7x128x128xf32, #tpu.memory_space<vmem>> -> memref<1x128x128xf32, #tpu.memory_space<vmem>>
        %dma_start3A_278 = tpu.memref_squeeze %dma_start3A_277 : memref<1x128x128xf32, #tpu.memory_space<vmem>> -> memref<128x128xf32, #tpu.memory_space<vmem>>
        %dma_start3A_279 = arith.constant 0 : i32
        %dma_start3A_280 = tpu.memref_slice %arg5[%add3A_274, %dma_start3A_279] : memref<50x128xi32, #tpu.memory_space<vmem>> -> memref<1x128xi32, #tpu.memory_space<vmem>>
        %dma_start3A_281 = tpu.memref_squeeze %dma_start3A_280 : memref<1x128xi32, #tpu.memory_space<vmem>> -> memref<128xi32, #tpu.memory_space<vmem>>
        %dma_start3A_282 = arith.constant 0 : i32
        %dma_start3A_283 = arith.constant 0 : i32
        %dma_start3A_284 = tpu.memref_slice %arg3[%dma_start3A_282, %dma_start3A_283] : memref<100000x128xf32, #tpu.memory_space<hbm>> -> memref<100000x128xf32, #tpu.memory_space<hbm>>
        %dma_start3A_285 = tpu.memref_slice %arg7[%rem3A_224] : memref<7x!tpu.dma_semaphore, #tpu.memory_space<semaphore_mem>> -> memref<1x!tpu.dma_semaphore, #tpu.memory_space<semaphore_mem>>
        %dma_start3A_286 = tpu.memref_squeeze %dma_start3A_285 : memref<1x!tpu.dma_semaphore, #tpu.memory_space<semaphore_mem>> -> memref<!tpu.dma_semaphore, #tpu.memory_space<semaphore_mem>>
        tpu.enqueue_indirect_dma source(%dma_start3A_284 : memref<100000x128xf32, #tpu.memory_space<hbm>>) target(%dma_start3A_278 : memref<128x128xf32, #tpu.memory_space<vmem>>) offsets(%dma_start3A_281 : memref<128xi32, #tpu.memory_space<vmem>>) semaphore(%dma_start3A_286 : memref<!tpu.dma_semaphore, #tpu.memory_space<semaphore_mem>>)
      } else {
      }
    }
    %scan3A_111 = arith.constant 50 : i32
    %dma_wait3A = arith.constant 0 : i32
    %dma_wait3A_112 = arith.constant 0 : i32
    %dma_wait3A_113 = arith.constant 0 : i32
    %dma_wait3A_114 = arith.constant 0 : i32
    %dma_wait3A_115 = tpu.memref_slice %arg6[%dma_wait3A, %dma_wait3A_113, %dma_wait3A_114] : memref<7x128x128xf32, #tpu.memory_space<vmem>> -> memref<1x128x128xf32, #tpu.memory_space<vmem>>
    %dma_wait3A_116 = tpu.memref_squeeze %dma_wait3A_115 : memref<1x128x128xf32, #tpu.memory_space<vmem>> -> memref<128x128xf32, #tpu.memory_space<vmem>>
    %dma_wait3A_117 = arith.constant 0 : i32
    %dma_wait3A_118 = tpu.memref_slice %arg4[%mul3A_2, %dma_wait3A_117] : memref<204800x128xf32, #tpu.memory_space<hbm>> -> memref<128x128xf32, #tpu.memory_space<hbm>>
    %dma_wait3A_119 = tpu.memref_slice %arg8[%dma_wait3A_112] : memref<7x!tpu.dma_semaphore, #tpu.memory_space<semaphore_mem>> -> memref<1x!tpu.dma_semaphore, #tpu.memory_space<semaphore_mem>>
    %dma_wait3A_120 = tpu.memref_squeeze %dma_wait3A_119 : memref<1x!tpu.dma_semaphore, #tpu.memory_space<semaphore_mem>> -> memref<!tpu.dma_semaphore, #tpu.memory_space<semaphore_mem>>
    %dma_wait3A_121 = arith.constant 0 : i32
    %dma_wait3A_122 = tpu.memref_slice %arg4[%mul3A_2, %dma_wait3A_121] : memref<204800x128xf32, #tpu.memory_space<hbm>> -> memref<128x128xf32, #tpu.memory_space<hbm>>
    %dma_wait3A_123 = arith.constant 0 : i32
    %dma_wait3A_124 = arith.constant 0 : i32
    %dma_wait3A_125 = tpu.memref_slice %arg6[%dma_wait3A, %dma_wait3A_123, %dma_wait3A_124] : memref<7x128x128xf32, #tpu.memory_space<vmem>> -> memref<1x128x128xf32, #tpu.memory_space<vmem>>
    %dma_wait3A_126 = tpu.memref_squeeze %dma_wait3A_125 : memref<1x128x128xf32, #tpu.memory_space<vmem>> -> memref<128x128xf32, #tpu.memory_space<vmem>>
    tpu.wait_dma2 semaphore(%dma_wait3A_120 : memref<!tpu.dma_semaphore, #tpu.memory_space<semaphore_mem>>) src(%dma_wait3A_126 : memref<128x128xf32, #tpu.memory_space<vmem>>) dst(%dma_wait3A_122 : memref<128x128xf32, #tpu.memory_space<hbm>>)
    %dma_wait3A_127 = arith.constant 1 : i32
    %dma_wait3A_128 = arith.constant 1 : i32
    %dma_wait3A_129 = arith.constant 0 : i32
    %dma_wait3A_130 = arith.constant 0 : i32
    %dma_wait3A_131 = tpu.memref_slice %arg6[%dma_wait3A_127, %dma_wait3A_129, %dma_wait3A_130] : memref<7x128x128xf32, #tpu.memory_space<vmem>> -> memref<1x128x128xf32, #tpu.memory_space<vmem>>
    %dma_wait3A_132 = tpu.memref_squeeze %dma_wait3A_131 : memref<1x128x128xf32, #tpu.memory_space<vmem>> -> memref<128x128xf32, #tpu.memory_space<vmem>>
    %dma_wait3A_133 = arith.constant 0 : i32
    %dma_wait3A_134 = tpu.memref_slice %arg4[%mul3A_2, %dma_wait3A_133] : memref<204800x128xf32, #tpu.memory_space<hbm>> -> memref<128x128xf32, #tpu.memory_space<hbm>>
    %dma_wait3A_135 = tpu.memref_slice %arg8[%dma_wait3A_128] : memref<7x!tpu.dma_semaphore, #tpu.memory_space<semaphore_mem>> -> memref<1x!tpu.dma_semaphore, #tpu.memory_space<semaphore_mem>>
    %dma_wait3A_136 = tpu.memref_squeeze %dma_wait3A_135 : memref<1x!tpu.dma_semaphore, #tpu.memory_space<semaphore_mem>> -> memref<!tpu.dma_semaphore, #tpu.memory_space<semaphore_mem>>
    %dma_wait3A_137 = arith.constant 0 : i32
    %dma_wait3A_138 = tpu.memref_slice %arg4[%mul3A_2, %dma_wait3A_137] : memref<204800x128xf32, #tpu.memory_space<hbm>> -> memref<128x128xf32, #tpu.memory_space<hbm>>
    %dma_wait3A_139 = arith.constant 0 : i32
    %dma_wait3A_140 = arith.constant 0 : i32
    %dma_wait3A_141 = tpu.memref_slice %arg6[%dma_wait3A_127, %dma_wait3A_139, %dma_wait3A_140] : memref<7x128x128xf32, #tpu.memory_space<vmem>> -> memref<1x128x128xf32, #tpu.memory_space<vmem>>
    %dma_wait3A_142 = tpu.memref_squeeze %dma_wait3A_141 : memref<1x128x128xf32, #tpu.memory_space<vmem>> -> memref<128x128xf32, #tpu.memory_space<vmem>>
    tpu.wait_dma2 semaphore(%dma_wait3A_136 : memref<!tpu.dma_semaphore, #tpu.memory_space<semaphore_mem>>) src(%dma_wait3A_142 : memref<128x128xf32, #tpu.memory_space<vmem>>) dst(%dma_wait3A_138 : memref<128x128xf32, #tpu.memory_space<hbm>>)
    %dma_wait3A_143 = arith.constant 2 : i32
    %dma_wait3A_144 = arith.constant 2 : i32
    %dma_wait3A_145 = arith.constant 0 : i32
    %dma_wait3A_146 = arith.constant 0 : i32
    %dma_wait3A_147 = tpu.memref_slice %arg6[%dma_wait3A_143, %dma_wait3A_145, %dma_wait3A_146] : memref<7x128x128xf32, #tpu.memory_space<vmem>> -> memref<1x128x128xf32, #tpu.memory_space<vmem>>
    %dma_wait3A_148 = tpu.memref_squeeze %dma_wait3A_147 : memref<1x128x128xf32, #tpu.memory_space<vmem>> -> memref<128x128xf32, #tpu.memory_space<vmem>>
    %dma_wait3A_149 = arith.constant 0 : i32
    %dma_wait3A_150 = tpu.memref_slice %arg4[%mul3A_2, %dma_wait3A_149] : memref<204800x128xf32, #tpu.memory_space<hbm>> -> memref<128x128xf32, #tpu.memory_space<hbm>>
    %dma_wait3A_151 = tpu.memref_slice %arg8[%dma_wait3A_144] : memref<7x!tpu.dma_semaphore, #tpu.memory_space<semaphore_mem>> -> memref<1x!tpu.dma_semaphore, #tpu.memory_space<semaphore_mem>>
    %dma_wait3A_152 = tpu.memref_squeeze %dma_wait3A_151 : memref<1x!tpu.dma_semaphore, #tpu.memory_space<semaphore_mem>> -> memref<!tpu.dma_semaphore, #tpu.memory_space<semaphore_mem>>
    %dma_wait3A_153 = arith.constant 0 : i32
    %dma_wait3A_154 = tpu.memref_slice %arg4[%mul3A_2, %dma_wait3A_153] : memref<204800x128xf32, #tpu.memory_space<hbm>> -> memref<128x128xf32, #tpu.memory_space<hbm>>
    %dma_wait3A_155 = arith.constant 0 : i32
    %dma_wait3A_156 = arith.constant 0 : i32
    %dma_wait3A_157 = tpu.memref_slice %arg6[%dma_wait3A_143, %dma_wait3A_155, %dma_wait3A_156] : memref<7x128x128xf32, #tpu.memory_space<vmem>> -> memref<1x128x128xf32, #tpu.memory_space<vmem>>
    %dma_wait3A_158 = tpu.memref_squeeze %dma_wait3A_157 : memref<1x128x128xf32, #tpu.memory_space<vmem>> -> memref<128x128xf32, #tpu.memory_space<vmem>>
    tpu.wait_dma2 semaphore(%dma_wait3A_152 : memref<!tpu.dma_semaphore, #tpu.memory_space<semaphore_mem>>) src(%dma_wait3A_158 : memref<128x128xf32, #tpu.memory_space<vmem>>) dst(%dma_wait3A_154 : memref<128x128xf32, #tpu.memory_space<hbm>>)
    %dma_wait3A_159 = arith.constant 3 : i32
    %dma_wait3A_160 = arith.constant 3 : i32
    %dma_wait3A_161 = arith.constant 0 : i32
    %dma_wait3A_162 = arith.constant 0 : i32
    %dma_wait3A_163 = tpu.memref_slice %arg6[%dma_wait3A_159, %dma_wait3A_161, %dma_wait3A_162] : memref<7x128x128xf32, #tpu.memory_space<vmem>> -> memref<1x128x128xf32, #tpu.memory_space<vmem>>
    %dma_wait3A_164 = tpu.memref_squeeze %dma_wait3A_163 : memref<1x128x128xf32, #tpu.memory_space<vmem>> -> memref<128x128xf32, #tpu.memory_space<vmem>>
    %dma_wait3A_165 = arith.constant 0 : i32
    %dma_wait3A_166 = tpu.memref_slice %arg4[%mul3A_2, %dma_wait3A_165] : memref<204800x128xf32, #tpu.memory_space<hbm>> -> memref<128x128xf32, #tpu.memory_space<hbm>>
    %dma_wait3A_167 = tpu.memref_slice %arg8[%dma_wait3A_160] : memref<7x!tpu.dma_semaphore, #tpu.memory_space<semaphore_mem>> -> memref<1x!tpu.dma_semaphore, #tpu.memory_space<semaphore_mem>>
    %dma_wait3A_168 = tpu.memref_squeeze %dma_wait3A_167 : memref<1x!tpu.dma_semaphore, #tpu.memory_space<semaphore_mem>> -> memref<!tpu.dma_semaphore, #tpu.memory_space<semaphore_mem>>
    %dma_wait3A_169 = arith.constant 0 : i32
    %dma_wait3A_170 = tpu.memref_slice %arg4[%mul3A_2, %dma_wait3A_169] : memref<204800x128xf32, #tpu.memory_space<hbm>> -> memref<128x128xf32, #tpu.memory_space<hbm>>
    %dma_wait3A_171 = arith.constant 0 : i32
    %dma_wait3A_172 = arith.constant 0 : i32
    %dma_wait3A_173 = tpu.memref_slice %arg6[%dma_wait3A_159, %dma_wait3A_171, %dma_wait3A_172] : memref<7x128x128xf32, #tpu.memory_space<vmem>> -> memref<1x128x128xf32, #tpu.memory_space<vmem>>
    %dma_wait3A_174 = tpu.memref_squeeze %dma_wait3A_173 : memref<1x128x128xf32, #tpu.memory_space<vmem>> -> memref<128x128xf32, #tpu.memory_space<vmem>>
    tpu.wait_dma2 semaphore(%dma_wait3A_168 : memref<!tpu.dma_semaphore, #tpu.memory_space<semaphore_mem>>) src(%dma_wait3A_174 : memref<128x128xf32, #tpu.memory_space<vmem>>) dst(%dma_wait3A_170 : memref<128x128xf32, #tpu.memory_space<hbm>>)
    %dma_wait3A_175 = arith.constant 4 : i32
    %dma_wait3A_176 = arith.constant 4 : i32
    %dma_wait3A_177 = arith.constant 0 : i32
    %dma_wait3A_178 = arith.constant 0 : i32
    %dma_wait3A_179 = tpu.memref_slice %arg6[%dma_wait3A_175, %dma_wait3A_177, %dma_wait3A_178] : memref<7x128x128xf32, #tpu.memory_space<vmem>> -> memref<1x128x128xf32, #tpu.memory_space<vmem>>
    %dma_wait3A_180 = tpu.memref_squeeze %dma_wait3A_179 : memref<1x128x128xf32, #tpu.memory_space<vmem>> -> memref<128x128xf32, #tpu.memory_space<vmem>>
    %dma_wait3A_181 = arith.constant 0 : i32
    %dma_wait3A_182 = tpu.memref_slice %arg4[%mul3A_2, %dma_wait3A_181] : memref<204800x128xf32, #tpu.memory_space<hbm>> -> memref<128x128xf32, #tpu.memory_space<hbm>>
    %dma_wait3A_183 = tpu.memref_slice %arg8[%dma_wait3A_176] : memref<7x!tpu.dma_semaphore, #tpu.memory_space<semaphore_mem>> -> memref<1x!tpu.dma_semaphore, #tpu.memory_space<semaphore_mem>>
    %dma_wait3A_184 = tpu.memref_squeeze %dma_wait3A_183 : memref<1x!tpu.dma_semaphore, #tpu.memory_space<semaphore_mem>> -> memref<!tpu.dma_semaphore, #tpu.memory_space<semaphore_mem>>
    %dma_wait3A_185 = arith.constant 0 : i32
    %dma_wait3A_186 = tpu.memref_slice %arg4[%mul3A_2, %dma_wait3A_185] : memref<204800x128xf32, #tpu.memory_space<hbm>> -> memref<128x128xf32, #tpu.memory_space<hbm>>
    %dma_wait3A_187 = arith.constant 0 : i32
    %dma_wait3A_188 = arith.constant 0 : i32
    %dma_wait3A_189 = tpu.memref_slice %arg6[%dma_wait3A_175, %dma_wait3A_187, %dma_wait3A_188] : memref<7x128x128xf32, #tpu.memory_space<vmem>> -> memref<1x128x128xf32, #tpu.memory_space<vmem>>
    %dma_wait3A_190 = tpu.memref_squeeze %dma_wait3A_189 : memref<1x128x128xf32, #tpu.memory_space<vmem>> -> memref<128x128xf32, #tpu.memory_space<vmem>>
    tpu.wait_dma2 semaphore(%dma_wait3A_184 : memref<!tpu.dma_semaphore, #tpu.memory_space<semaphore_mem>>) src(%dma_wait3A_190 : memref<128x128xf32, #tpu.memory_space<vmem>>) dst(%dma_wait3A_186 : memref<128x128xf32, #tpu.memory_space<hbm>>)
    %dma_wait3A_191 = arith.constant 5 : i32
    %dma_wait3A_192 = arith.constant 5 : i32
    %dma_wait3A_193 = arith.constant 0 : i32
    %dma_wait3A_194 = arith.constant 0 : i32
    %dma_wait3A_195 = tpu.memref_slice %arg6[%dma_wait3A_191, %dma_wait3A_193, %dma_wait3A_194] : memref<7x128x128xf32, #tpu.memory_space<vmem>> -> memref<1x128x128xf32, #tpu.memory_space<vmem>>
    %dma_wait3A_196 = tpu.memref_squeeze %dma_wait3A_195 : memref<1x128x128xf32, #tpu.memory_space<vmem>> -> memref<128x128xf32, #tpu.memory_space<vmem>>
    %dma_wait3A_197 = arith.constant 0 : i32
    %dma_wait3A_198 = tpu.memref_slice %arg4[%mul3A_2, %dma_wait3A_197] : memref<204800x128xf32, #tpu.memory_space<hbm>> -> memref<128x128xf32, #tpu.memory_space<hbm>>
    %dma_wait3A_199 = tpu.memref_slice %arg8[%dma_wait3A_192] : memref<7x!tpu.dma_semaphore, #tpu.memory_space<semaphore_mem>> -> memref<1x!tpu.dma_semaphore, #tpu.memory_space<semaphore_mem>>
    %dma_wait3A_200 = tpu.memref_squeeze %dma_wait3A_199 : memref<1x!tpu.dma_semaphore, #tpu.memory_space<semaphore_mem>> -> memref<!tpu.dma_semaphore, #tpu.memory_space<semaphore_mem>>
    %dma_wait3A_201 = arith.constant 0 : i32
    %dma_wait3A_202 = tpu.memref_slice %arg4[%mul3A_2, %dma_wait3A_201] : memref<204800x128xf32, #tpu.memory_space<hbm>> -> memref<128x128xf32, #tpu.memory_space<hbm>>
    %dma_wait3A_203 = arith.constant 0 : i32
    %dma_wait3A_204 = arith.constant 0 : i32
    %dma_wait3A_205 = tpu.memref_slice %arg6[%dma_wait3A_191, %dma_wait3A_203, %dma_wait3A_204] : memref<7x128x128xf32, #tpu.memory_space<vmem>> -> memref<1x128x128xf32, #tpu.memory_space<vmem>>
    %dma_wait3A_206 = tpu.memref_squeeze %dma_wait3A_205 : memref<1x128x128xf32, #tpu.memory_space<vmem>> -> memref<128x128xf32, #tpu.memory_space<vmem>>
    tpu.wait_dma2 semaphore(%dma_wait3A_200 : memref<!tpu.dma_semaphore, #tpu.memory_space<semaphore_mem>>) src(%dma_wait3A_206 : memref<128x128xf32, #tpu.memory_space<vmem>>) dst(%dma_wait3A_202 : memref<128x128xf32, #tpu.memory_space<hbm>>)
    %dma_wait3A_207 = arith.constant 6 : i32
    %dma_wait3A_208 = arith.constant 6 : i32
    %dma_wait3A_209 = arith.constant 0 : i32
    %dma_wait3A_210 = arith.constant 0 : i32
    %dma_wait3A_211 = tpu.memref_slice %arg6[%dma_wait3A_207, %dma_wait3A_209, %dma_wait3A_210] : memref<7x128x128xf32, #tpu.memory_space<vmem>> -> memref<1x128x128xf32, #tpu.memory_space<vmem>>
    %dma_wait3A_212 = tpu.memref_squeeze %dma_wait3A_211 : memref<1x128x128xf32, #tpu.memory_space<vmem>> -> memref<128x128xf32, #tpu.memory_space<vmem>>
    %dma_wait3A_213 = arith.constant 0 : i32
    %dma_wait3A_214 = tpu.memref_slice %arg4[%mul3A_2, %dma_wait3A_213] : memref<204800x128xf32, #tpu.memory_space<hbm>> -> memref<128x128xf32, #tpu.memory_space<hbm>>
    %dma_wait3A_215 = tpu.memref_slice %arg8[%dma_wait3A_208] : memref<7x!tpu.dma_semaphore, #tpu.memory_space<semaphore_mem>> -> memref<1x!tpu.dma_semaphore, #tpu.memory_space<semaphore_mem>>
    %dma_wait3A_216 = tpu.memref_squeeze %dma_wait3A_215 : memref<1x!tpu.dma_semaphore, #tpu.memory_space<semaphore_mem>> -> memref<!tpu.dma_semaphore, #tpu.memory_space<semaphore_mem>>
    %dma_wait3A_217 = arith.constant 0 : i32
    %dma_wait3A_218 = tpu.memref_slice %arg4[%mul3A_2, %dma_wait3A_217] : memref<204800x128xf32, #tpu.memory_space<hbm>> -> memref<128x128xf32, #tpu.memory_space<hbm>>
    %dma_wait3A_219 = arith.constant 0 : i32
    %dma_wait3A_220 = arith.constant 0 : i32
    %dma_wait3A_221 = tpu.memref_slice %arg6[%dma_wait3A_207, %dma_wait3A_219, %dma_wait3A_220] : memref<7x128x128xf32, #tpu.memory_space<vmem>> -> memref<1x128x128xf32, #tpu.memory_space<vmem>>
    %dma_wait3A_222 = tpu.memref_squeeze %dma_wait3A_221 : memref<1x128x128xf32, #tpu.memory_space<vmem>> -> memref<128x128xf32, #tpu.memory_space<vmem>>
    tpu.wait_dma2 semaphore(%dma_wait3A_216 : memref<!tpu.dma_semaphore, #tpu.memory_space<semaphore_mem>>) src(%dma_wait3A_222 : memref<128x128xf32, #tpu.memory_space<vmem>>) dst(%dma_wait3A_218 : memref<128x128xf32, #tpu.memory_space<hbm>>)
    return
  }
}

</mosaic_0001>

<sc_bundles>
// kernel: kernel.3.cloned.1.call-start
scs
__scs_entry_jumppad:
0x0: {  	(pc) =	sbr.rel $0x88, $3  }
0x1: {  	(tag) =	ssettag $0x0;
	lr =	simm.s32 $0x1  }
0x2: {  	[smem:$0x3F9F] =	sst lr;
	_ =	strace $0xD0000000  }
0x3: {  	_ = 	snop  }
0x4: {  	_ = 	snop  }
0x5: {  	_ = 	snop  }
0x6: {  	_ = 	snop  }
0x7: {  	_ = 	snop  }
__scs_overlays_trampoline_lowered:
0x8: {  	[smem:$0x3FAE] =	sst s0  }
0x9: {  	[smem:$0x3FAF] =	sst s1  }
0xa: {  	[smem:$0x3FB0] =	sst s2  }
0xb: {  	[smem:$0x3FB1] =	sst s3  }
0xc: {  	[smem:$0x3FB2] =	sst s4  }
0xd: {  	[smem:$0x3FB3] =	sst s5  }
0xe: {  	[smem:$0x3FB4] =	sst s6  }
0xf: {  	[smem:$0x3FB5] =	sst s7  }
0x10: {  	[smem:$0x3FB6] =	sst s8  }
0x11: {  	[smem:$0x3FB7] =	sst s9;
	s0 =	simm.s32 @!p0 $0x0  }
0x12: {  	s1 =	sld [smem:$0x3F9D];
	s0 =	simm.s32 @p0 $0x1  }
0x13: {  	[smem:$0x3FB8] =	sst s0;
	s0 =	simm.s32 @!p1 $0x0  }
0x14: {  	s2 =	sld [smem:$0x3F9C];
	s0 =	simm.s32 @p1 $0x1  }
0x15: {  	[smem:$0x3FB9] =	sst s0;
	s0 =	simm.s32 @!p2 $0x0  }
0x16: {  	s3 =	sld [smem:$0x3FDB];
	s0 =	simm.s32 @p2 $0x1  }
0x17: {  	s4 =	simm.s32 $0x1BF5;
	[smem:$0x3FBB] =	sst s0  }
0x18: {  	s0 =	sld [smem:$0x3F9E];
	_ =	swait.ge [sflag:s4], $0x0  }
0x19: {  	s7 =	sld [smem:$0x3F9F]  }
0x1a: {  	s8 =	sadd.s32 $0xFFFFE003, lr  }
0x1b: {  	s9 =	sadd.s32 $0xFFFFFEF7, lr;
	s5 =	simm.s32 $0xFFFFFFFF;
	p2 =	slt.u32 s8, $0xFFFFF086  }
0x1c: {  	p1 =	slt.u32 s9, $0xF7A;
	s5 =	simm.s32 @!p2 $0x0  }
0x1d: {  	s5 =	simm.s32 @p1 $0x1;
	p0 =	seq.s32 s7, s2  }
0x1e: {  	s7 =	smul.u32 @!p0 $0xF7A, s2;
	p2 =	seq.s32 @!p0 s5, $0x0  }
0x1f: {  	s9 =	smul.u32 $0xF7A, s1;
	s8 =	simm.s32 @!p0 $0x1BF5;
	p2 =	por !p2, p0  }
0x20: {  	[sflag:s8] =	ssyncset.s32 @!p0 $0xFFFFF086;
	s6 =	sadd.s32 @!p0 s3, s7;
	s7 =	simm.s32 @!p0 $0x108  }
0x21: {  	s3 =	sadd.s32 s3, s9;
	s6 =	sadd.s32 @!p0 $0x88, s6;
	s7 =	simm.s32 @p2 $0x1082  }
0x22: {  	[simem:s7], [sflag:s8] =	dma.local @!p0 [hbm:s6], $0xF7A  }
0x23: {  	s9 =	sor.u32 $0xD0000000, s2;
	s6 =	simm.s32 $0x108;
	_ =	swait.ge @!p0 [sflag:s8], $0x0  }
0x24: {  	s3 =	sadd.s32 $0x88, s3;
	s6 =	simm.s32 @!p1 $0x1082;
	[sflag:s4] =	ssyncset.s32 $0xFFFFF086  }
0x25: {  	[simem:s6], [sflag:s4] =	dma.local [hbm:s3], $0xF7A  }
0x26: {  	[smem:$0x3F9F] =	sst s1;
	(tag) =	ssettag s2;
	_ =	strace s9  }
0x27: {  	s1 =	sld [smem:$0x3FAF]  }
0x28: {  	s2 =	sld [smem:$0x3FB0]  }
0x29: {  	s4 =	sld [smem:$0x3FB2]  }
0x2a: {  	p0 =	seq.s32 s5, $0x0;
	s5 =	sld [smem:$0x3FB3]  }
0x2b: {  	s6 =	sld [smem:$0x3FB4]  }
0x2c: {  	s7 =	sld [smem:$0x3FB5]  }
0x2d: {  	s3 =	simm.s32 $0x108;
	s8 =	sld [smem:$0x3FB6]  }
0x2e: {  	s3 =	simm.s32 @!p0 $0x1082;
	s9 =	sld [smem:$0x3FB7]  }
0x2f: {  	lr =	sadd.s32 s0, s3;
	s0 =	sld [smem:$0x3FAE]  }
0x30: {  	s3 =	sld [smem:$0x3FB1]  }
0x31: {  	[smem:$0x3FBA] =	sst s10  }
0x32: {  	s10 =	sld [smem:$0x3FB8];
	_ =	sdelay $0x3  }
0x33: {  	p0 =	seq.s32 s10, $0x1;
	s10 =	sld [smem:$0x3FBA];
	_ =	sdelay $0x3  }
0x34: {  	[smem:$0x3FBA] =	sst s10  }
0x35: {  	s10 =	sld [smem:$0x3FB9];
	_ =	sdelay $0x3  }
0x36: {  	p1 =	seq.s32 s10, $0x1;
	s10 =	sld [smem:$0x3FBA];
	_ =	sdelay $0x3  }
0x37: {  	[smem:$0x3FBA] =	sst s10  }
0x38: {  	s10 =	sld [smem:$0x3FBB]  }
0x39: {  	_ = 	snop;
	(pc) =	sbr.ind lr, $3  }
0x3a: {  	_ = 	snop  }
0x3b: {  	_ = 	snop  }
0x3c: {  	p2 =	seq.s32 s10, $0x1;
	s10 =	sld [smem:$0x3FBA]  }
0x3d: {  	_ =	shalt  }
0x3e: {  	_ =	shalt  }
0x3f: {  	_ =	shalt  }
0x40: {  	_ =	shalt  }
0x41: {  	_ =	shalt  }
0x42: {  	_ =	shalt  }
0x43: {  	_ =	shalt  }
0x44: {  	_ =	shalt  }
0x45: {  	_ =	shalt  }
0x46: {  	_ =	shalt  }
0x47: {  	_ =	shalt  }
0x48: {  	_ =	shalt  }
0x49: {  	_ =	shalt  }
0x4a: {  	_ =	shalt  }
0x4b: {  	_ =	shalt  }
0x4c: {  	_ =	shalt  }
0x4d: {  	_ =	shalt  }
0x4e: {  	_ =	shalt  }
0x4f: {  	_ =	shalt  }
0x50: {  	_ =	shalt  }
0x51: {  	_ =	shalt  }
0x52: {  	_ =	shalt  }
0x53: {  	_ =	shalt  }
0x54: {  	_ =	shalt  }
0x55: {  	_ =	shalt  }
0x56: {  	_ =	shalt  }
0x57: {  	_ =	shalt  }
0x58: {  	_ =	shalt  }
0x59: {  	_ =	shalt  }
0x5a: {  	_ =	shalt  }
0x5b: {  	_ =	shalt  }
0x5c: {  	_ =	shalt  }
0x5d: {  	_ =	shalt  }
0x5e: {  	_ =	shalt  }
0x5f: {  	_ =	shalt  }
0x60: {  	_ =	shalt  }
0x61: {  	_ =	shalt  }
0x62: {  	_ =	shalt  }
0x63: {  	_ =	shalt  }
0x64: {  	_ =	shalt  }
0x65: {  	_ =	shalt  }
0x66: {  	_ =	shalt  }
0x67: {  	_ =	shalt  }
0x68: {  	_ =	shalt  }
0x69: {  	_ =	shalt  }
0x6a: {  	_ =	shalt  }
0x6b: {  	_ =	shalt  }
0x6c: {  	_ =	shalt  }
0x6d: {  	_ =	shalt  }
0x6e: {  	_ =	shalt  }
0x6f: {  	_ =	shalt  }
0x70: {  	_ =	shalt  }
0x71: {  	_ =	shalt  }
0x72: {  	_ =	shalt  }
0x73: {  	_ =	shalt  }
0x74: {  	_ =	shalt  }
0x75: {  	_ =	shalt  }
0x76: {  	_ =	shalt  }
0x77: {  	_ =	shalt  }
0x78: {  	_ =	shalt  }
0x79: {  	_ =	shalt  }
0x7a: {  	_ =	shalt  }
0x7b: {  	_ =	shalt  }
0x7c: {  	_ =	shalt  }
0x7d: {  	_ =	shalt  }
0x7e: {  	_ =	shalt  }
0x7f: {  	_ =	shalt  }
0x80: {  	_ =	shalt  }
0x81: {  	_ =	shalt  }
0x82: {  	_ =	shalt  }
0x83: {  	_ =	shalt  }
0x84: {  	_ =	shalt  }
0x85: {  	_ =	shalt  }
0x86: {  	_ =	shalt  }
0x87: {  	_ =	shalt  }
.Lfunc_end0:
.L_simem_size_0:
called_computation_lowered:
.L_overlay_start_0:
0x88: {  	s2 =	sld [smem:$0x3FD9]  }
0x89: {  	s3 =	sld [smem:$0x3FFE];
	_ =	sdelay $0x1  }
0x8a: {  	s1 =	srdreg.scid  }
0x8b: {  	s0 =	sand.u32 $0x1, s1  }
0x8c: {  	s17 =	sshll.u32 s0, $0xA;
	s2 =	sadd.s32 s3, s2  }
0x8d: {  	s2 =	sadd.s32 s2, s17  }
0x8e: {  	[smem:$0x3FC6] =	sst s2  }
0x8f: {  	_ = 	snop  }
0x90: {  	s2 =	sld [smem:$0x3FC8]  }
0x91: {  	s18 =	sld [smem:$0x3FD0];
	(tm) =	ssettm $0x1  }
0x92: {  	s4 =	sld [smem:$0x3FFB];
	_ =	sdelay $0x3  }
0x93: {  	_ =	strace s4  }
0x94: {  	s4 =	sld [smem:$0x3FFC];
	_ =	sdelay $0x3  }
0x95: {  	_ =	strace s4  }
0x96: {  	s4 =	sld [smem:$0x3FFD];
	_ =	sdelay $0x3  }
0x97: {  	_ =	strace s4  }
0x98: {  	_ =	strace $0x8FFFFFFF  }
0x99: {  	s19 =	sld [smem:$0x3FDB];
	_ =	sdelay $0x1  }
0x9a: {  	s5 =	simm.s32 $_scs_section_size  }
0x9b: {  	s6 =	simm.s32 $_size__tile_overlayer_lowered;
	s7 =	simm.s32 $_tile_overlayer_lowered  }
0x9c: {  	s22 =	simm.s32 $0x1BFF;
	s21 =	sshll.u32 s7, $0x1;
	s4 =	sadd.s32 s5, s19  }
0x9d: {  	s8 =	simm.s32 $0x0;
	s20 =	sshll.u32 s6, $0x1;
	s6 =	sadd.s32 s21, s4  }
0x9e: {  	[timem:s8], [sflag:s22] =	dma.local [hbm:s6], s20  }
0x9f: {  	_ =	swait.ge [sflag:s22], s20  }
0xa0: {  	s5 =	ssub.s32 $0x0, s20;
	[sflag:s22] =	ssyncset.done $0x0  }
0xa1: {  	[sflag:s22] =	ssyncadd.s32 s5;
	_ =	sdelay $0x1  }
0xa2: {  	s23 =	simm.s32 $0x1B8B  }
0xa3: {  	_ =	swait.ge [sflag:s23], $0x1  }
0xa4: {  	[sflag:s23] =	ssyncset.done $0x0  }
0xa5: {  	s25 =	simm.s32 $0x1B8E;
	s24 =	sld [smem:$0x3FFE];
	[sflag:s23] =	ssyncadd.s32 $0xFFFFFFFF  }
0xa6: {  	s26 =	simm.s32 $execute0_lowered;
	[smem:$0x3FD2] =	sst s25  }
0xa7: {  	s6 =	sshll.u32 s26, $0x1;
	_ =	strace $0x80000046;
	[dreg:$0x1] =	wrdreg $0xFFFFFFFF  }
0xa8: {  	s28 =	simm.s32 $_size_execute0_lowered;
	s4 =	sadd.s32 s4, s6;
	[dreg:$0x0] =	wrdreg $0x0  }
0xa9: {  	s6 =	sshll.u32 s28, $0x1;
	[dreg:$0x2] =	wrdreg s4  }
0xaa: {  	[dreg:$0x3] =	wrdreg s6  }
0xab: {  	[dreg:$0x4] =	wrdreg $0xC0  }
0xac: {  	_ =	task [dreg:s8], $0x5FFFF  }
0xad: {  	[dreg:$0x1] =	wrdreg $0xFFFFFFFF  }
0xae: {  	[dreg:$0x0] =	wrdreg $0x60  }
0xaf: {  	[dreg:$0x2] =	wrdreg s24  }
0xb0: {  	[dreg:$0x3] =	wrdreg s2  }
0xb1: {  	[dreg:$0x4] =	wrdreg s18  }
0xb2: {  	[dreg:$0x5] =	wrdreg $0x9  }
0xb3: {  	_ =	task.clear_ibuf [dreg:s8], $0x6FFFF;
	_ =	strace $0x90000046  }
0xb4: {  	s29 =	simm.s32 $0x9;
	_ =	strace $0x80000048  }
0xb5: {  	_ =	swait.ge [sflag:s29], $0x1  }
0xb6: {  	[sflag:s29] =	ssyncadd.s32 $0xFFFFFFFF  }
0xb7: {  	_ =	strace $0x90000048  }
0xb8: {  	_ =	sfence  }
0xb9: {  	s30 =	sld [smem:$0x0];
	_ =	sdelay $0x2  }
0xba: {  	s31 =	sshll.u32 s1, $0xD;
	s1 =	sshrl.u32 s1, $0x2  }
0xbb: {  	s3 =	sand.u32 $0x4000, s31;
	s1 =	sadd.s32 s1, s30  }
0xbc: {  	s0 =	sor.u32 s3, s0;
	s1 =	sshll.u32 s1, $0x11  }
0xbd: {  	s0 =	sor.u32 s1, s0  }
0xbe: {  	s0 =	sadd.s32 $0x8F2B, s0  }
0xbf: {  	[sflag:s0] =	ssyncadd.remote.s32 $0x1  }
0xc0: {  	_ =	sfence.sel $0xFFFF  }
0xc1: {  	[dreg:$0x0] =	wrdreg $0xFFFFFFFF;
	(pc) =	sbr.abs _section_cstart, $3  }
0xc2: {  	[dreg:$0x1] =	wrdreg $0xFFFFFFFF  }
0xc3: {  	_ =	task.clear_ibuf [dreg:s8], $0x2FFFF;
	_ =	strace $0x9FFFFFFF  }
0xc4: {  	(tm) =	ssettm $0x7FFFFFFF  }
0xc5: {  	_ =	shalt  }
tec
execute0_lowered:
.L_overlay_start_1:
0x0: {  	(tag) =	ssettag $0x1  }
0x1: {  	s1 =	rddreg [dreg:$0x0]  }
0x2: {  	s0 =	srdreg.scid;
	s2 =	rddreg [dreg:$0x1]  }
0x3: {  	s5 =	stileid.u32;
	s6 =	rddreg [dreg:$0x2]  }
0x4: {  	s8 =	simm.s32 $0x80;
	s19 =	simm.s32 $0x300;
	s20 =	simm.s32 $0x19C00  }
0x5: {  	s21 =	simm.s32 $0x8;
	s22 =	simm.s32 $0x9;
	s23 =	simm.s32 $0xA  }
0x6: {  	s24 =	simm.s32 $0xB;
	s25 =	simm.s32 $0xC;
	s26 =	simm.s32 $0xD  }
0x7: {  	s0 =	sand.u32 $0x1, s0;
	s3 =	sshll.u32 s5, $0x1;
	s5 =	smul.u32 $0x190000, s5  }
0x8: {  	s28 =	simm.s32 $0xE;
	s3 =	sor.u32 s0, s3;
	s7 =	smul.u32 $0xC8000, s0  }
0x9: {  	s0 =	ssub.s32 $0x2, s0;
	s4 =	smul.u32 $0x380, s3;
	s3 =	simm.s32 $0x0  }
0xa: {  	s29 =	simm.s32 $0x0;
	s30 =	sshrl.u32 s0, $0x1;
	[smem:$0x7FF] =	sst s3  }
0xb: {  	s5 =	sadd.s32 s7, s5;
	s0 =	ssub.s32 s0, s30;
	s7 =	simm.s32 $0xF  }
0xc: {  	_ =	strace $0x80000047;
	s1 =	sadd.s32 s4, s1;
	s31 =	sshrl.u32 s5, $0x3  }
0xd: {  	s5 =	smax.u32 s0, $0x1;
	s4 =	sadd.s32 $0x400, s1;
	s13 =	sadd.s32 s31, s6  }
.LBB2_1:
0xe: {  	[tilespmem:s3], [sflag:$0xF] =	stream.linear.gather [hbm4b:s4+s3], $0x1900, $0x38;
	[tilespmem:$0x1DC00] =	vst v63  }
0xf: {  	s0 =	simm.s32 $0x1C00;
	_ =	swait.ge [sflag:s7], $0x1900  }
0x10: {  	s1 =	simm.s32 $0x5C00;
	s6 =	simm.s32 $0x100;
	[sflag:s7] =	ssyncset.done $0x0  }
0x11: {  	s9 =	simm.s32 $0x180;
	s16 =	smul.u32 $0x25, s3;
	[sflag:s7] =	ssyncadd.s32 $0xFFFFE700  }
0x12: {  	[tilespmem:s0], [sflag:$0x1] =	stream.indirect.gather [hbm4b:s2+s8], $0x80, s3, s8, $0xb8;
	[tilespmem:$0x1DC00] =	vst v63  }
0x13: {  	s10 =	simm.s32 $0xDC00;
	s11 =	simm.s32 $0x200;
	s0 =	sshrl.u32 s16, $0x8  }
0x14: {  	[tilespmem:s1], [sflag:$0x2] =	stream.indirect.gather [hbm4b:s2+s8], $0x80, s8, s8, $0xb8;
	[tilespmem:$0x1DC00] =	vst v63  }
0x15: {  	s12 =	simm.s32 $0x11C00;
	s17 =	ssub.s32 $0x0, s0;
	s1 =	simm.s32 $0x9C00  }
0x16: {  	[tilespmem:s1], [sflag:$0x3] =	stream.indirect.gather [hbm4b:s2+s8], $0x80, s6, s8, $0xb8;
	[tilespmem:$0x1DC00] =	vst v63  }
0x17: {  	s14 =	simm.s32 $0x280;
	s30 =	simm.s32 $0x1;
	s1 =	sand.u32 $0xFE, s17  }
0x18: {  	s15 =	simm.s32 $0x15C00;
	s18 =	smul.u32 $0x25, s30;
	s1 =	sshrl.u32 s1, $0x1  }
0x19: {  	[tilespmem:s10], [sflag:$0x4] =	stream.indirect.gather [hbm4b:s2+s8], $0x80, s9, s8, $0xb8;
	[tilespmem:$0x1DC00] =	vst v63  }
0x1a: {  	p0 =	por $0x0, $0x0;
	s0 =	sadd.s32 s0, s1;
	s1 =	sshrl.u32 s18, $0x8  }
0x1b: {  	s31 =	simm.s32 $0x400;
	s0 =	sand.u32 $0xFC, s0;
	s6 =	ssub.s32 $0x1, s1  }
0x1c: {  	[tilespmem:s12], [sflag:$0x5] =	stream.indirect.gather [hbm4b:s2+s8], $0x80, s11, s8, $0xb8;
	[tilespmem:$0x1DC00] =	vst v63  }
0x1d: {  	s9 =	simm.s32 $0x380;
	s0 =	sshrl.u32 s0, $0x2;
	s6 =	sand.u32 $0xFE, s6  }
0x1e: {  	s10 =	simm.s32 $0x2;
	s0 =	smul.u32 $0x7, s0;
	s6 =	sshrl.u32 s6, $0x1  }
0x1f: {  	[tilespmem:s15], [sflag:$0x6] =	stream.indirect.gather [hbm4b:s2+s8], $0x80, s14, s8, $0xb8;
	[tilespmem:$0x1DC00] =	vst v63  }
0x20: {  	s6 =	sadd.s32 s1, s6;
	s1 =	sadd.s32 $0x800, s13;
	s0 =	ssub.s32 $0x0, s0  }
0x21: {  	[tilespmem:s20], [sflag:$0x7] =	stream.indirect.gather [hbm4b:s2+s8], $0x80, s19, s8, $0xb8;
	[tilespmem:$0x1DC00] =	vst v63  }
0x22: {  	s14 =	simm.s32 @!p0 $0x80;
	s15 =	sand.u32 $0xFC, s6;
	s0 =	sand.u32 $0xFF, s0  }
0x23: {  	s6 =	smov.u32 s13;
	s12 =	sadd.s32 $0x1, s0;
	s11 =	sshll.u32 s0, $0xE  }
0x24: {  	s0 =	sor.u32 $0x8, s0;
	s11 =	sor.u32 $0x1C00, s11;
	_ =	swait.ge [sflag:s12], $0x4000  }
.LBB2_2:
0x25: {  	s15 =	sshrl.u32 s15, $0x2  }
0x26: {  	[sflag:s12] =	ssyncset.done $0x0;
	s16 =	smov.u32 s10;
	s10 =	sadd.s32 $0x1, s10  }
0x27: {  	p1 =	sne.s32 s10, $0x32;
	s15 =	smul.u32 $0x7, s15;
	[sflag:s12] =	ssyncadd.s32 $0xFFFFC000  }
0x28: {  	[hbm4b:s6+s3] =	stream.linear.scatter [tilespmem:s11], [sflag:s0], $0x4000, $0x38;
	[tilespmem:$0x1DC00] =	vst v63  }
0x29: {  	s6 =	smov.u32 s1;
	s15 =	ssub.s32 s30, s15;
	_ =	swait.ge @!p0 [sflag:s0], $0x4000  }
0x2a: {  	s15 =	sand.u32 $0xFF, s15;
	[sflag:s0] =	ssyncset.done @!p0 $0x0  }
0x2b: {  	s17 =	smul.u32 $0x25, s16;
	s18 =	sadd.s32 $0x1, s15;
	[sflag:s0] =	ssyncadd.s32 @!p0 $0xFFFFC000  }
0x2c: {  	[tilespmem:s11], [sflag:s12] =	stream.indirect.gather @!p0 [hbm4b:s2+s14], $0x80, s9, s14, $0xb8;
	[tilespmem:$0x1DC00] =	vst v63  }
0x2d: {  	s0 =	sor.u32 $0x8, s15;
	s14 =	sshrl.u32 s17, $0x8;
	s9 =	sshll.u32 s15, $0xE  }
.Ltmp0:
0x2e: {  	s12 =	ssub.s32 s16, s14;
	s11 =	sor.u32 $0x1C00, s9;
	(pc) =	sbr.rel @p1 .LBB2_2-.Ltmp0, $4  }
0x2f: {  	p0 =	sgt.u32 s30, $0x2A;
	s30 =	smov.u32 s16;
	s9 =	sand.u32 $0xFE, s12  }
0x30: {  	s12 =	smov.u32 s18;
	s15 =	sshrl.u32 s9, $0x1;
	s9 =	smov.u32 s31  }
0x31: {  	s1 =	sadd.s32 $0x800, s1;
	s31 =	sadd.s32 $0x80, s31;
	s14 =	sadd.s32 s14, s15  }
0x32: {  	s15 =	sand.u32 $0xFC, s14;
	s14 =	simm.s32 @!p0 $0x80;
	_ =	swait.ge [sflag:s12], $0x4000  }
0x33: {  	s10 =	sshrl.u32 s15, $0x2;
	[sflag:s12] =	ssyncset.done $0x0  }
0x34: {  	s10 =	smul.u32 $0x7, s10;
	[sflag:s12] =	ssyncadd.s32 $0xFFFFC000  }
0x35: {  	[hbm4b:s6+s3] =	stream.linear.scatter [tilespmem:s11], [sflag:s0], $0x4000, $0x38;
	[tilespmem:$0x1DC00] =	vst v63  }
0x36: {  	s17 =	ssub.s32 s30, s10;
	_ =	swait.ge @!p0 [sflag:s0], $0x4000  }
0x37: {  	s6 =	sand.u32 $0xFF, s17;
	[sflag:s0] =	ssyncset.done @!p0 $0x0  }
0x38: {  	s10 =	sadd.s32 $0x1, s6;
	[sflag:s0] =	ssyncadd.s32 @!p0 $0xFFFFC000  }
0x39: {  	[tilespmem:s11], [sflag:s12] =	stream.indirect.gather @!p0 [hbm4b:s2+s14], $0x80, s9, s14, $0xb8;
	[tilespmem:$0x1DC00] =	vst v63  }
0x3a: {  	_ =	swait.ge [sflag:s10], $0x4000  }
0x3b: {  	s18 =	sshll.u32 s6, $0xE;
	s6 =	sor.u32 $0x8, s6;
	[sflag:s10] =	ssyncset.done $0x0  }
0x3c: {  	s0 =	sor.u32 $0x1C00, s18;
	p0 =	sgt.u32 s30, $0x2A;
	[sflag:s10] =	ssyncadd.s32 $0xFFFFC000  }
0x3d: {  	[hbm4b:s1+s3] =	stream.linear.scatter [tilespmem:s0], [sflag:s6], $0x4000, $0x38;
	[tilespmem:$0x1DC00] =	vst v63  }
0x3e: {  	_ =	swait.ge @!p0 [sflag:s6], $0x4000  }
0x3f: {  	[sflag:s6] =	ssyncset.done @!p0 $0x0  }
0x40: {  	s1 =	simm.s32 @!p0 $0x80;
	[sflag:s6] =	ssyncadd.s32 @!p0 $0xFFFFC000  }
0x41: {  	[tilespmem:s0], [sflag:s10] =	stream.indirect.gather @!p0 [hbm4b:s2+s1], $0x80, s31, s1, $0xb8;
	[tilespmem:$0x1DC00] =	vst v63  }
0x42: {  	_ =	swait.ge [sflag:s21], $0x4000  }
0x43: {  	[sflag:s21] =	ssyncset.done $0x0  }
0x44: {  	[sflag:s21] =	ssyncadd.s32 $0xFFFFC000  }
0x45: {  	_ =	swait.ge [sflag:s22], $0x4000  }
0x46: {  	[sflag:s22] =	ssyncset.done $0x0  }
0x47: {  	[sflag:s22] =	ssyncadd.s32 $0xFFFFC000  }
0x48: {  	_ =	swait.ge [sflag:s23], $0x4000  }
0x49: {  	[sflag:s23] =	ssyncset.done $0x0  }
0x4a: {  	[sflag:s23] =	ssyncadd.s32 $0xFFFFC000  }
0x4b: {  	_ =	swait.ge [sflag:s24], $0x4000  }
0x4c: {  	[sflag:s24] =	ssyncset.done $0x0  }
0x4d: {  	[sflag:s24] =	ssyncadd.s32 $0xFFFFC000  }
0x4e: {  	_ =	swait.ge [sflag:s25], $0x4000  }
0x4f: {  	[sflag:s25] =	ssyncset.done $0x0  }
0x50: {  	s29 =	sadd.s32 $0x1, s29;
	[sflag:s25] =	ssyncadd.s32 $0xFFFFC000  }
0x51: {  	p0 =	sne.s32 s29, s5;
	_ =	swait.ge [sflag:s26], $0x4000  }
.Ltmp1:
0x52: {  	[sflag:s26] =	ssyncset.done $0x0;
	(pc) =	sbr.rel @p0 .LBB2_1-.Ltmp1, $4  }
0x53: {  	[sflag:s26] =	ssyncadd.s32 $0xFFFFC000  }
0x54: {  	_ =	swait.ge [sflag:s28], $0x4000  }
0x55: {  	[sflag:s28] =	ssyncset.done $0x0  }
0x56: {  	[sflag:s28] =	ssyncadd.s32 $0xFFFFC000  }
0x57: {  	_ =	sfence.sel $0x180000  }
0x58: {  	[bflag:$0x0] =	sbarrier.arrive $0xFFFF  }
0x59: {  	_ =	strace $0x90000047  }
0x5a: {  	s0 =	stileid.u32;
	[bflag:$0x2] =	sbarrier.arrive $0xFFFF  }
0x5b: {  	p0 =	sne.s32 s0, $0x0;
	s0 =	rddreg [dreg:$0x3]  }
0x5c: {  	s0 =	sadd.s32 @!p0 $0x100000, s0  }
0x5d: {  	[sflag:s0] =	ssyncadd.tile.s32 @!p0 $0x1;
	_ =	shalt  }
.Lfunc_end2:
_tile_overlayer_lowered:
.L_overlay_start_2:
0x5e: {  	(tag) =	ssettag $0x2  }
0x5f: {  	s0 =	rddreg [dreg:$0x0];
	s2 =	stileid.u32  }
0x60: {  	s1 =	rddreg [dreg:$0x1];
	p0 =	sne.s32 s2, $0x0  }
0x61: {  	s3 =	rddreg [dreg:$0x2];
	[bflag:$0x3] =	sbarrier.arrive $0xFFFF;
	s2 =	simm.s32 @!p0 $0x1C0F  }
0x62: {  	[timem:s3], [sflag:s2] =	dma.local @!p0 [hbm:s0], s1  }
0x63: {  	s0 =	simm.s32 @!p0 $0xF  }
0x64: {  	_ =	swait.ge @!p0 [sflag:s0], s1  }
0x65: {  	s1 =	ssub.s32 @!p0 $0x0, s1;
	[sflag:s0] =	ssyncset.done @!p0 $0x0  }
0x66: {  	[sflag:s0] =	ssyncadd.s32 @!p0 s1  }
0x67: {  	[bflag:$0x3] =	sbarrier.arrive $0xFFFF  }
0x68: {  	_ =	shalt  }

</sc_bundles>
